<compile_context>
chip_gen: v7x
topology: tpu7x:2x2x1
jax: 0.10.2.dev20260603
libtpu: 0.0.44.dev20260713+nightly
codegen_flags: <defaults>
</compile_context>

<pallas_src>
import functools

import jax
import jax.numpy as jnp
from jax import lax
from jax.experimental import pallas as pl
from jax.experimental.pallas import tpu as pltpu
from jax.experimental.pallas import tpu_sc as plsc

_B, _D, _K = 4096, 32, 512

_NC, _NS = 1, 16
_NW = _NC * _NS
_BPW = _B // _NW


def _dist_argmin_body(x_ref, w_ref, idx_ref, wt_ref):
    x = x_ref[...]
    w = w_ref[...]
    wsq = jnp.sum(w * w, axis=0, keepdims=True)
    xa = jnp.concatenate([x * -2.0, jnp.ones((_B, 1), jnp.float32)], axis=1)
    wa = jnp.concatenate([w, wsq], axis=0)
    scores_t = lax.dot_general(wa, xa, (((0,), (1,)), ((), ())),
                               preferred_element_type=jnp.float32,
                               precision=lax.Precision.HIGHEST)
    mn = jnp.min(scores_t, axis=0, keepdims=True)
    ks = lax.broadcasted_iota(jnp.int32, (_K, _B), 0)
    idx_ref[...] = jnp.min(jnp.where(scores_t == mn, ks, _K), axis=0)
    eye = jnp.where(lax.broadcasted_iota(jnp.int32, (_D, _D), 0)
                    == lax.broadcasted_iota(jnp.int32, (_D, _D), 1),
                    1.0, 0.0).astype(jnp.float32)
    wt_ref[...] = lax.dot_general(w, eye, (((0,), (0,)), ((), ())),
                                  preferred_element_type=jnp.float32,
                                  precision=lax.Precision.HIGHEST)


_dist_argmin = pl.pallas_call(
    _dist_argmin_body,
    out_shape=(jax.ShapeDtypeStruct((_B,), jnp.int32),
               jax.ShapeDtypeStruct((_K, _D), jnp.float32)),
)


@functools.partial(
    pl.kernel,
    mesh=plsc.VectorSubcoreMesh(core_axis_name="c", subcore_axis_name="s",
                                num_cores=_NC, num_subcores=_NS),
    out_type=jax.ShapeDtypeStruct((_B, _D), jnp.float32),
    scratch_types=[
        pltpu.VMEM((_BPW,), jnp.int32),
        pltpu.VMEM((_BPW, _D), jnp.float32),
        pltpu.SemaphoreType.DMA,
    ],
    compiler_params=pltpu.CompilerParams(
        use_tc_tiling_on_sc=False, needs_layout_passes=False),
)
def _gather_rows(wt_hbm, idx_hbm, out_hbm, idx_v, rows_v, sem):
    wid = lax.axis_index("s") * _NC + lax.axis_index("c")
    base = wid * _BPW
    pltpu.sync_copy(idx_hbm.at[pl.ds(base, _BPW)], idx_v)
    pltpu.async_copy(wt_hbm.at[idx_v], rows_v, sem).wait()
    pltpu.sync_copy(rows_v, out_hbm.at[pl.ds(base, _BPW)])


def kernel(x, weight):
    idx, wt = _dist_argmin(x, weight)
    result = _gather_rows(wt, idx)
    return (result, idx)

# --- scband reference (transcript-rebuilt; emitter-appended) ---
"""Pipeline reference for scband-skill-module-52432960750160 (READ-ONLY COPY).

The authoritative reference and input builder live on the scoring server;
editing this copy changes nothing except your own understanding.
"""

import jax, jax.numpy as jnp
import numpy as np


def setup_inputs(seed: int = 0) -> dict:
    key = jax.random.key(seed)
    k1, k2 = jax.random.split(key)
    x = jax.random.normal(k1, (4096, 32), dtype=jnp.float32)
    # codebook buffer: torch.rand(emb_dim, n_emb)
    weight = jax.random.uniform(k2, (32, 512), dtype=jnp.float32)
    return {"x": x, "weight": weight}


def reference(x, weight):
    # Faithful translation of NearestEmbedEMA.forward (training=False, eval path).
    # x: (B, emb_dim); weight: (emb_dim, n_emb)
    x_expanded = x[:, :, None]                  # (B, d, 1)
    emb_expanded = weight[None, :, :]           # (1, d, K)
    # torch.norm(x_expanded - emb_expanded, 2, 1) -> L2 norm over emb_dim axis
    dist = jnp.linalg.norm(x_expanded - emb_expanded, axis=1)   # (B, K)
    argmin = jnp.argmin(dist, axis=-1)          # (B,) int
    # weight.t().index_select(0, argmin) -> gather codebook rows
    result = jnp.take(weight.T, argmin, axis=0)  # (B, d)
    # straight-through estimator: result = x + (result - x).detach()
    result = x + jax.lax.stop_gradient(result - x)
    return (result, argmin)

if __name__ == "__main__":
    import jax
    _d = setup_inputs()
    print(jax.jit(kernel)(*tuple(_d.values())))

</pallas_src>

<mosaic_0001>
#map = affine_map<(d0, d1) -> (0, 0)>
#map1 = affine_map<(d0, d1) -> (0)>
module attributes {stable_mosaic.version = 14 : i64} {
  func.func @_gather_rows(%arg0: i32, %arg1: i32, %arg2: memref<512x32xf32, #tpu.memory_space<hbm>>, %arg3: memref<4096xi32, #tpu.memory_space<hbm>>, %arg4: memref<4096x32xf32, #tpu.memory_space<hbm>>, %arg5: memref<256xi32, #tpu.memory_space<vmem>>, %arg6: memref<256x32xf32, #tpu.memory_space<vmem>>, %arg7: memref<!tpu.dma_semaphore, #tpu.memory_space<semaphore_mem>>) attributes {dimension_semantics = [#tpu.dimension_semantics<core_parallel>, #tpu.dimension_semantics<subcore_parallel>], iteration_bounds = array<i64: 1, 16>, scalar_prefetch = 0 : i64, scratch_operands = 3 : i64, tpu.core_type = #tpu.core_type<sc_vector_subcore>, window_params = [{transform_indices = #map}, {transform_indices = #map1}, {transform_indices = #map}]} {
    %mul3A = arith.constant 1 : i32
    %mul3A_0 = arith.muli %arg1, %mul3A : i32
    %add3A = arith.addi %mul3A_0, %arg0 : i32
    %mul3A_1 = arith.constant 256 : i32
    %mul3A_2 = arith.muli %add3A, %mul3A_1 : i32
    "tpu.region"() ({
      %run_scoped3A = tpu.sem_alloc : memref<!tpu.dma_semaphore, #tpu.memory_space<semaphore_mem>>
      %dma_start3A_7 = tpu.memref_slice %arg3[%mul3A_2] : memref<4096xi32, #tpu.memory_space<hbm>> -> memref<256xi32, #tpu.memory_space<hbm>>
      %dma_start3A_8 = tpu.memref_slice %arg3[%mul3A_2] : memref<4096xi32, #tpu.memory_space<hbm>> -> memref<256xi32, #tpu.memory_space<hbm>>
      tpu.enqueue_dma source(%dma_start3A_8 : memref<256xi32, #tpu.memory_space<hbm>>) target(%arg5 : memref<256xi32, #tpu.memory_space<vmem>>) target_semaphore(%run_scoped3A : memref<!tpu.dma_semaphore, #tpu.memory_space<semaphore_mem>>)
      %dma_wait3A_9 = tpu.memref_slice %arg3[%mul3A_2] : memref<4096xi32, #tpu.memory_space<hbm>> -> memref<256xi32, #tpu.memory_space<hbm>>
      %dma_wait3A_10 = tpu.memref_slice %arg3[%mul3A_2] : memref<4096xi32, #tpu.memory_space<hbm>> -> memref<256xi32, #tpu.memory_space<hbm>>
      tpu.wait_dma2 semaphore(%run_scoped3A : memref<!tpu.dma_semaphore, #tpu.memory_space<semaphore_mem>>) src(%dma_wait3A_10 : memref<256xi32, #tpu.memory_space<hbm>>) dst(%arg5 : memref<256xi32, #tpu.memory_space<vmem>>)
      tpu.yield
    }) : () -> ()
    %dma_start3A = arith.constant 0 : i32
    %dma_start3A_3 = arith.constant 0 : i32
    %dma_start3A_4 = tpu.memref_slice %arg2[%dma_start3A, %dma_start3A_3] : memref<512x32xf32, #tpu.memory_space<hbm>> -> memref<512x32xf32, #tpu.memory_space<hbm>>
    tpu.enqueue_indirect_dma source(%dma_start3A_4 : memref<512x32xf32, #tpu.memory_space<hbm>>) target(%arg6 : memref<256x32xf32, #tpu.memory_space<vmem>>) offsets(%arg5 : memref<256xi32, #tpu.memory_space<vmem>>) semaphore(%arg7 : memref<!tpu.dma_semaphore, #tpu.memory_space<semaphore_mem>>)
    %dma_wait3A = arith.constant 0 : i32
    %dma_wait3A_5 = arith.constant 0 : i32
    %dma_wait3A_6 = tpu.memref_slice %arg2[%dma_wait3A, %dma_wait3A_5] : memref<512x32xf32, #tpu.memory_space<hbm>> -> memref<512x32xf32, #tpu.memory_space<hbm>>
    tpu.wait_indirect_dma semaphore(%arg7 : memref<!tpu.dma_semaphore, #tpu.memory_space<semaphore_mem>>) src(%dma_wait3A_6 : memref<512x32xf32, #tpu.memory_space<hbm>>) dst(%arg6 : memref<256x32xf32, #tpu.memory_space<vmem>>)
    "tpu.region"() ({
      %run_scoped3A = tpu.sem_alloc : memref<!tpu.dma_semaphore, #tpu.memory_space<semaphore_mem>>
      %dma_start3A_7 = arith.constant 0 : i32
      %dma_start3A_8 = tpu.memref_slice %arg4[%mul3A_2, %dma_start3A_7] : memref<4096x32xf32, #tpu.memory_space<hbm>> -> memref<256x32xf32, #tpu.memory_space<hbm>>
      %dma_start3A_9 = arith.constant 0 : i32
      %dma_start3A_10 = tpu.memref_slice %arg4[%mul3A_2, %dma_start3A_9] : memref<4096x32xf32, #tpu.memory_space<hbm>> -> memref<256x32xf32, #tpu.memory_space<hbm>>
      tpu.enqueue_dma source(%arg6 : memref<256x32xf32, #tpu.memory_space<vmem>>) target(%dma_start3A_10 : memref<256x32xf32, #tpu.memory_space<hbm>>) target_semaphore(%run_scoped3A : memref<!tpu.dma_semaphore, #tpu.memory_space<semaphore_mem>>)
      %dma_wait3A_11 = arith.constant 0 : i32
      %dma_wait3A_12 = tpu.memref_slice %arg4[%mul3A_2, %dma_wait3A_11] : memref<4096x32xf32, #tpu.memory_space<hbm>> -> memref<256x32xf32, #tpu.memory_space<hbm>>
      %dma_wait3A_13 = arith.constant 0 : i32
      %dma_wait3A_14 = tpu.memref_slice %arg4[%mul3A_2, %dma_wait3A_13] : memref<4096x32xf32, #tpu.memory_space<hbm>> -> memref<256x32xf32, #tpu.memory_space<hbm>>
      tpu.wait_dma2 semaphore(%run_scoped3A : memref<!tpu.dma_semaphore, #tpu.memory_space<semaphore_mem>>) src(%arg6 : memref<256x32xf32, #tpu.memory_space<vmem>>) dst(%dma_wait3A_14 : memref<256x32xf32, #tpu.memory_space<hbm>>)
      tpu.yield
    }) : () -> ()
    return
  }
}

module attributes {stable_mosaic.version = 14 : i64} {
  func.func @_dist_argmin_body(%arg0: memref<4096x32xf32, #tpu.memory_space<vmem>>, %arg1: memref<32x512xf32, #tpu.memory_space<vmem>>, %arg2: memref<4096xi32, #tpu.memory_space<vmem>>, %arg3: memref<512x32xf32, #tpu.memory_space<vmem>>) attributes {dimension_semantics = [], scalar_prefetch = 0 : i64, scratch_operands = 0 : i64, tpu.core_type = #tpu.core_type<tc>} {
    %get3A = arith.constant 0 : index
    %get3A_0 = arith.constant 0 : index
    %get3A_1 = vector.load %arg0[%get3A, %get3A_0] : memref<4096x32xf32, #tpu.memory_space<vmem>>, vector<4096x32xf32>
    %get3A_2 = arith.constant 0 : index
    %get3A_3 = arith.constant 0 : index
    %get3A_4 = vector.load %arg1[%get3A_2, %get3A_3] : memref<32x512xf32, #tpu.memory_space<vmem>>, vector<32x512xf32>
    %mul3A = arith.mulf %get3A_4, %get3A_4 : vector<32x512xf32>
    %reduce_sum3A = arith.constant dense<0.000000e+00> : vector<512xf32>
    %reduce_sum3A_5 = vector.multi_reduction <add>, %mul3A, %reduce_sum3A [0] : vector<32x512xf32> to vector<512xf32>
    %broadcast_in_dim3A = vector.shape_cast %reduce_sum3A_5 : vector<512xf32> to vector<1x512xf32>
    %mul3A_6 = arith.constant -2.000000e+00 : f32
    %mul3A_7 = vector.broadcast %mul3A_6 : f32 to vector<4096x32xf32>
    %mul3A_8 = arith.mulf %get3A_1, %mul3A_7 : vector<4096x32xf32>
    %broadcast_in_dim3A_9 = arith.constant 1.000000e+00 : f32
    %broadcast_in_dim3A_10 = vector.broadcast %broadcast_in_dim3A_9 : f32 to vector<4096x1xf32>
    %concatenate3A = tpu.concatenate %mul3A_8, %broadcast_in_dim3A_10 in 1 : vector<4096x32xf32>, vector<4096x1xf32> -> vector<4096x33xf32>
    %concatenate3A_11 = tpu.concatenate %get3A_4, %broadcast_in_dim3A in 0 : vector<32x512xf32>, vector<1x512xf32> -> vector<33x512xf32>
    %dot_general3A = arith.constant dense<0.000000e+00> : vector<512x4096xf32>
    %dot_general3A_12 = tpu.matmul %concatenate3A_11, %concatenate3A, %dot_general3A {dimension_numbers = #tpu.dot_dimension_numbers<[0], [1], [1], [0], [0, 1, 1, 0], [], []>, precision = #tpu.contract_precision<fp32>, transpose_lhs_hint = false} : vector<33x512xf32>, vector<4096x33xf32>, vector<512x4096xf32> -> vector<512x4096xf32>
    %reduce_min3A = arith.constant dense<0x7F800000> : vector<4096xf32>
    %reduce_min3A_13 = vector.multi_reduction <minimumf>, %dot_general3A_12, %reduce_min3A [0] : vector<512x4096xf32> to vector<4096xf32>
    %broadcast_in_dim3A_14 = vector.shape_cast %reduce_min3A_13 : vector<4096xf32> to vector<1x4096xf32>
    %iota3A = tpu.iota {dimensions = array<i32: 0>} : vector<512x4096xi32>
    %eq3A = vector.broadcast %broadcast_in_dim3A_14 : vector<1x4096xf32> to vector<512x4096xf32>
    %eq3A_15 = arith.cmpf oeq, %dot_general3A_12, %eq3A : vector<512x4096xf32>
    %jit3A = arith.constant 512 : i32
    %broadcast_in_dim3A_16 = vector.broadcast %jit3A : i32 to vector<512x4096xi32>
    %select_n3A = arith.select %eq3A_15, %iota3A, %broadcast_in_dim3A_16 : vector<512x4096xi1>, vector<512x4096xi32>
    %reduce_min3A_17 = arith.constant dense<2147483647> : vector<4096xi32>
    %reduce_min3A_18 = vector.multi_reduction <minsi>, %select_n3A, %reduce_min3A_17 [0] : vector<512x4096xi32> to vector<4096xi32>
    %swap3A = arith.constant 0 : index
    %swap3A_19 = vector.load %arg2[%swap3A] : memref<4096xi32, #tpu.memory_space<vmem>>, vector<4096xi32>
    tpu.vector_store %arg2[%swap3A], %reduce_min3A_18 {strides = array<i32>} : memref<4096xi32, #tpu.memory_space<vmem>>, vector<4096xi32>,
    %iota3A_20 = tpu.iota {dimensions = array<i32: 0>} : vector<32x32xi32>
    %iota3A_21 = tpu.iota {dimensions = array<i32: 1>} : vector<32x32xi32>
    %eq3A_22 = arith.cmpi eq, %iota3A_20, %iota3A_21 : vector<32x32xi32>
    %jit3A_23 = arith.constant 1.000000e+00 : f32
    %jit3A_24 = arith.constant 0.000000e+00 : f32
    %broadcast_in_dim3A_25 = vector.broadcast %jit3A_23 : f32 to vector<32x32xf32>
    %broadcast_in_dim3A_26 = vector.broadcast %jit3A_24 : f32 to vector<32x32xf32>
    %select_n3A_27 = arith.select %eq3A_22, %broadcast_in_dim3A_25, %broadcast_in_dim3A_26 : vector<32x32xi1>, vector<32x32xf32>
    %dot_general3A_28 = arith.constant dense<0.000000e+00> : vector<512x32xf32>
    %dot_general3A_29 = tpu.matmul %get3A_4, %select_n3A_27, %dot_general3A_28 {dimension_numbers = #tpu.dot_dimension_numbers<[0], [0], [1], [1], [0, 1, 1, 1], [], []>, precision = #tpu.contract_precision<fp32>, transpose_lhs_hint = false} : vector<32x512xf32>, vector<32x32xf32>, vector<512x32xf32> -> vector<512x32xf32>
    %swap3A_30 = arith.constant 0 : index
    %swap3A_31 = arith.constant 0 : index
    %swap3A_32 = vector.load %arg3[%swap3A_30, %swap3A_31] : memref<512x32xf32, #tpu.memory_space<vmem>>, vector<512x32xf32>
    tpu.vector_store %arg3[%swap3A_30, %swap3A_31], %dot_general3A_29 {strides = array<i32>} : memref<512x32xf32, #tpu.memory_space<vmem>>, vector<512x32xf32>,
    return
  }
}

</mosaic_0001>

<sc_bundles>
// kernel: kernel.4.cloned.1.call-start
scs
__scs_entry_jumppad:
0x0: {  	(pc) =	sbr.rel $0x88, $3  }
0x1: {  	(tag) =	ssettag $0x0;
	lr =	simm.s32 $0x1  }
0x2: {  	[smem:$0x3F9F] =	sst lr;
	_ =	strace $0xD0000000  }
0x3: {  	_ = 	snop  }
0x4: {  	_ = 	snop  }
0x5: {  	_ = 	snop  }
0x6: {  	_ = 	snop  }
0x7: {  	_ = 	snop  }
__scs_overlays_trampoline_lowered:
0x8: {  	[smem:$0x3FAE] =	sst s0  }
0x9: {  	[smem:$0x3FAF] =	sst s1  }
0xa: {  	[smem:$0x3FB0] =	sst s2  }
0xb: {  	[smem:$0x3FB1] =	sst s3  }
0xc: {  	[smem:$0x3FB2] =	sst s4  }
0xd: {  	[smem:$0x3FB3] =	sst s5  }
0xe: {  	[smem:$0x3FB4] =	sst s6  }
0xf: {  	[smem:$0x3FB5] =	sst s7  }
0x10: {  	[smem:$0x3FB6] =	sst s8  }
0x11: {  	[smem:$0x3FB7] =	sst s9;
	s0 =	simm.s32 @!p0 $0x0  }
0x12: {  	s1 =	sld [smem:$0x3F9D];
	s0 =	simm.s32 @p0 $0x1  }
0x13: {  	[smem:$0x3FB8] =	sst s0;
	s0 =	simm.s32 @!p1 $0x0  }
0x14: {  	s2 =	sld [smem:$0x3F9C];
	s0 =	simm.s32 @p1 $0x1  }
0x15: {  	[smem:$0x3FB9] =	sst s0;
	s0 =	simm.s32 @!p2 $0x0  }
0x16: {  	s3 =	sld [smem:$0x3FDB];
	s0 =	simm.s32 @p2 $0x1  }
0x17: {  	s4 =	simm.s32 $0x1BF5;
	[smem:$0x3FBB] =	sst s0  }
0x18: {  	s0 =	sld [smem:$0x3F9E];
	_ =	swait.ge [sflag:s4], $0x0  }
0x19: {  	s7 =	sld [smem:$0x3F9F]  }
0x1a: {  	s8 =	sadd.s32 $0xFFFFE003, lr  }
0x1b: {  	s9 =	sadd.s32 $0xFFFFFEF7, lr;
	s5 =	simm.s32 $0xFFFFFFFF;
	p2 =	slt.u32 s8, $0xFFFFF086  }
0x1c: {  	p1 =	slt.u32 s9, $0xF7A;
	s5 =	simm.s32 @!p2 $0x0  }
0x1d: {  	s5 =	simm.s32 @p1 $0x1;
	p0 =	seq.s32 s7, s2  }
0x1e: {  	s7 =	smul.u32 @!p0 $0xF7A, s2;
	p2 =	seq.s32 @!p0 s5, $0x0  }
0x1f: {  	s9 =	smul.u32 $0xF7A, s1;
	s8 =	simm.s32 @!p0 $0x1BF5;
	p2 =	por !p2, p0  }
0x20: {  	[sflag:s8] =	ssyncset.s32 @!p0 $0xFFFFF086;
	s6 =	sadd.s32 @!p0 s3, s7;
	s7 =	simm.s32 @!p0 $0x108  }
0x21: {  	s3 =	sadd.s32 s3, s9;
	s6 =	sadd.s32 @!p0 $0x88, s6;
	s7 =	simm.s32 @p2 $0x1082  }
0x22: {  	[simem:s7], [sflag:s8] =	dma.local @!p0 [hbm:s6], $0xF7A  }
0x23: {  	s9 =	sor.u32 $0xD0000000, s2;
	s6 =	simm.s32 $0x108;
	_ =	swait.ge @!p0 [sflag:s8], $0x0  }
0x24: {  	s3 =	sadd.s32 $0x88, s3;
	s6 =	simm.s32 @!p1 $0x1082;
	[sflag:s4] =	ssyncset.s32 $0xFFFFF086  }
0x25: {  	[simem:s6], [sflag:s4] =	dma.local [hbm:s3], $0xF7A  }
0x26: {  	[smem:$0x3F9F] =	sst s1;
	(tag) =	ssettag s2;
	_ =	strace s9  }
0x27: {  	s1 =	sld [smem:$0x3FAF]  }
0x28: {  	s2 =	sld [smem:$0x3FB0]  }
0x29: {  	s4 =	sld [smem:$0x3FB2]  }
0x2a: {  	p0 =	seq.s32 s5, $0x0;
	s5 =	sld [smem:$0x3FB3]  }
0x2b: {  	s6 =	sld [smem:$0x3FB4]  }
0x2c: {  	s7 =	sld [smem:$0x3FB5]  }
0x2d: {  	s3 =	simm.s32 $0x108;
	s8 =	sld [smem:$0x3FB6]  }
0x2e: {  	s3 =	simm.s32 @!p0 $0x1082;
	s9 =	sld [smem:$0x3FB7]  }
0x2f: {  	lr =	sadd.s32 s0, s3;
	s0 =	sld [smem:$0x3FAE]  }
0x30: {  	s3 =	sld [smem:$0x3FB1]  }
0x31: {  	[smem:$0x3FBA] =	sst s10  }
0x32: {  	s10 =	sld [smem:$0x3FB8];
	_ =	sdelay $0x3  }
0x33: {  	p0 =	seq.s32 s10, $0x1;
	s10 =	sld [smem:$0x3FBA];
	_ =	sdelay $0x3  }
0x34: {  	[smem:$0x3FBA] =	sst s10  }
0x35: {  	s10 =	sld [smem:$0x3FB9];
	_ =	sdelay $0x3  }
0x36: {  	p1 =	seq.s32 s10, $0x1;
	s10 =	sld [smem:$0x3FBA];
	_ =	sdelay $0x3  }
0x37: {  	[smem:$0x3FBA] =	sst s10  }
0x38: {  	s10 =	sld [smem:$0x3FBB]  }
0x39: {  	_ = 	snop;
	(pc) =	sbr.ind lr, $3  }
0x3a: {  	_ = 	snop  }
0x3b: {  	_ = 	snop  }
0x3c: {  	p2 =	seq.s32 s10, $0x1;
	s10 =	sld [smem:$0x3FBA]  }
0x3d: {  	_ =	shalt  }
0x3e: {  	_ =	shalt  }
0x3f: {  	_ =	shalt  }
0x40: {  	_ =	shalt  }
0x41: {  	_ =	shalt  }
0x42: {  	_ =	shalt  }
0x43: {  	_ =	shalt  }
0x44: {  	_ =	shalt  }
0x45: {  	_ =	shalt  }
0x46: {  	_ =	shalt  }
0x47: {  	_ =	shalt  }
0x48: {  	_ =	shalt  }
0x49: {  	_ =	shalt  }
0x4a: {  	_ =	shalt  }
0x4b: {  	_ =	shalt  }
0x4c: {  	_ =	shalt  }
0x4d: {  	_ =	shalt  }
0x4e: {  	_ =	shalt  }
0x4f: {  	_ =	shalt  }
0x50: {  	_ =	shalt  }
0x51: {  	_ =	shalt  }
0x52: {  	_ =	shalt  }
0x53: {  	_ =	shalt  }
0x54: {  	_ =	shalt  }
0x55: {  	_ =	shalt  }
0x56: {  	_ =	shalt  }
0x57: {  	_ =	shalt  }
0x58: {  	_ =	shalt  }
0x59: {  	_ =	shalt  }
0x5a: {  	_ =	shalt  }
0x5b: {  	_ =	shalt  }
0x5c: {  	_ =	shalt  }
0x5d: {  	_ =	shalt  }
0x5e: {  	_ =	shalt  }
0x5f: {  	_ =	shalt  }
0x60: {  	_ =	shalt  }
0x61: {  	_ =	shalt  }
0x62: {  	_ =	shalt  }
0x63: {  	_ =	shalt  }
0x64: {  	_ =	shalt  }
0x65: {  	_ =	shalt  }
0x66: {  	_ =	shalt  }
0x67: {  	_ =	shalt  }
0x68: {  	_ =	shalt  }
0x69: {  	_ =	shalt  }
0x6a: {  	_ =	shalt  }
0x6b: {  	_ =	shalt  }
0x6c: {  	_ =	shalt  }
0x6d: {  	_ =	shalt  }
0x6e: {  	_ =	shalt  }
0x6f: {  	_ =	shalt  }
0x70: {  	_ =	shalt  }
0x71: {  	_ =	shalt  }
0x72: {  	_ =	shalt  }
0x73: {  	_ =	shalt  }
0x74: {  	_ =	shalt  }
0x75: {  	_ =	shalt  }
0x76: {  	_ =	shalt  }
0x77: {  	_ =	shalt  }
0x78: {  	_ =	shalt  }
0x79: {  	_ =	shalt  }
0x7a: {  	_ =	shalt  }
0x7b: {  	_ =	shalt  }
0x7c: {  	_ =	shalt  }
0x7d: {  	_ =	shalt  }
0x7e: {  	_ =	shalt  }
0x7f: {  	_ =	shalt  }
0x80: {  	_ =	shalt  }
0x81: {  	_ =	shalt  }
0x82: {  	_ =	shalt  }
0x83: {  	_ =	shalt  }
0x84: {  	_ =	shalt  }
0x85: {  	_ =	shalt  }
0x86: {  	_ =	shalt  }
0x87: {  	_ =	shalt  }
.Lfunc_end0:
.L_simem_size_0:
called_computation_lowered:
.L_overlay_start_0:
0x88: {  	s0 =	sld [smem:$0x3FD9]  }
0x89: {  	s1 =	sld [smem:$0x3FFE];
	_ =	sdelay $0x3  }
0x8a: {  	s0 =	sadd.s32 s1, s0  }
0x8b: {  	[smem:$0x3FC6] =	sst s0  }
0x8c: {  	_ = 	snop  }
0x8d: {  	s0 =	sld [smem:$0x3FD0];
	_ =	sdelay $0x2  }
0x8e: {  	s13 =	simm.s32 $0xA;
	s2 =	simm.s32 $0x10  }
0x8f: {  	[smem:s2], [sflag:s13] =	dma.local [hbm:s0], $0x1  }
0x90: {  	_ =	swait.eq [sflag:s13], $0x1  }
0x91: {  	[sflag:s13] =	ssyncset.done $0x0  }
0x92: {  	s14 =	sld [smem:$0x10];
	[sflag:s13] =	ssyncadd.s32 $0xFFFFFFFF  }
0x93: {  	s15 =	sld [smem:$0x11];
	(tm) =	ssettm $0x1  }
0x94: {  	s16 =	sld [smem:$0x3FFB];
	_ =	sdelay $0x3  }
0x95: {  	_ =	strace s16  }
0x96: {  	s2 =	sld [smem:$0x3FFC];
	_ =	sdelay $0x3  }
0x97: {  	_ =	strace s2  }
0x98: {  	s2 =	sld [smem:$0x3FFD];
	_ =	sdelay $0x3  }
0x99: {  	_ =	strace s2  }
0x9a: {  	_ =	strace $0x8FFFFFFF  }
0x9b: {  	s17 =	sld [smem:$0x3FDB];
	_ =	sdelay $0x1  }
0x9c: {  	s3 =	simm.s32 $_scs_section_size  }
0x9d: {  	s4 =	simm.s32 $_size__tile_overlayer_lowered;
	s5 =	simm.s32 $_tile_overlayer_lowered  }
0x9e: {  	s20 =	simm.s32 $0x1BFF;
	s19 =	sshll.u32 s5, $0x1;
	s2 =	sadd.s32 s3, s17  }
0x9f: {  	s6 =	simm.s32 $0x0;
	s18 =	sshll.u32 s4, $0x1;
	s4 =	sadd.s32 s19, s2  }
0xa0: {  	[timem:s6], [sflag:s20] =	dma.local [hbm:s4], s18  }
0xa1: {  	_ =	swait.ge [sflag:s20], s18  }
0xa2: {  	s3 =	ssub.s32 $0x0, s18;
	[sflag:s20] =	ssyncset.done $0x0  }
0xa3: {  	[sflag:s20] =	ssyncadd.s32 s3;
	_ =	sdelay $0x1  }
0xa4: {  	s21 =	simm.s32 $0x1B8B  }
0xa5: {  	_ =	swait.ge [sflag:s21], $0x1  }
0xa6: {  	[sflag:s21] =	ssyncset.done $0x0  }
0xa7: {  	s23 =	simm.s32 $0x1B8E;
	s22 =	sld [smem:$0x3FFE];
	[sflag:s21] =	ssyncadd.s32 $0xFFFFFFFF  }
0xa8: {  	s24 =	simm.s32 $execute0_lowered;
	[smem:$0x3FD2] =	sst s23  }
0xa9: {  	s4 =	sshll.u32 s24, $0x1;
	_ =	strace $0x80000046;
	[dreg:$0x1] =	wrdreg $0xFFFFFFFF  }
0xaa: {  	s25 =	simm.s32 $_size_execute0_lowered;
	s2 =	sadd.s32 s2, s4;
	[dreg:$0x0] =	wrdreg $0x0  }
0xab: {  	s4 =	sshll.u32 s25, $0x1;
	[dreg:$0x2] =	wrdreg s2  }
0xac: {  	[dreg:$0x3] =	wrdreg s4  }
0xad: {  	[dreg:$0x4] =	wrdreg $0xC0  }
0xae: {  	_ =	task [dreg:s6], $0x5FFFF  }
0xaf: {  	[dreg:$0x1] =	wrdreg $0xFFFFFFFF  }
0xb0: {  	[dreg:$0x0] =	wrdreg $0x60  }
0xb1: {  	[dreg:$0x2] =	wrdreg s22  }
0xb2: {  	[dreg:$0x3] =	wrdreg s15  }
0xb3: {  	[dreg:$0x4] =	wrdreg s14  }
0xb4: {  	[dreg:$0x5] =	wrdreg $0x9  }
0xb5: {  	_ =	task.clear_ibuf [dreg:s6], $0x6FFFF;
	_ =	strace $0x90000046  }
0xb6: {  	s26 =	simm.s32 $0x9;
	_ =	strace $0x80000048  }
0xb7: {  	_ =	swait.ge [sflag:s26], $0x1  }
0xb8: {  	[sflag:s26] =	ssyncadd.s32 $0xFFFFFFFF  }
0xb9: {  	_ =	strace $0x90000048  }
0xba: {  	_ =	sfence  }
0xbb: {  	s28 =	sld [smem:$0x0];
	_ =	sdelay $0x1  }
0xbc: {  	s29 =	srdreg.scid  }
0xbd: {  	s30 =	sshll.u32 s29, $0xD;
	s31 =	sshrl.u32 s29, $0x2  }
0xbe: {  	s1 =	sand.u32 $0x1, s29;
	s2 =	sand.u32 $0x4000, s30;
	s0 =	sadd.s32 s31, s28  }
0xbf: {  	s1 =	sor.u32 s2, s1;
	s0 =	sshll.u32 s0, $0x11  }
0xc0: {  	s0 =	sor.u32 s0, s1  }
0xc1: {  	s0 =	sadd.s32 $0x8F2B, s0  }
0xc2: {  	[sflag:s0] =	ssyncadd.remote.s32 $0x1  }
0xc3: {  	_ =	sfence.sel $0xFFFF  }
0xc4: {  	[dreg:$0x0] =	wrdreg $0xFFFFFFFF;
	(pc) =	sbr.abs _section_cstart, $3  }
0xc5: {  	[dreg:$0x1] =	wrdreg $0xFFFFFFFF  }
0xc6: {  	_ =	task.clear_ibuf [dreg:s6], $0x2FFFF;
	_ =	strace $0x9FFFFFFF  }
0xc7: {  	(tm) =	ssettm $0x7FFFFFFF  }
tec
execute0_lowered:
.L_overlay_start_1:
0x0: {  	(tag) =	ssettag $0x1  }
0x1: {  	s0 =	rddreg [dreg:$0x0]  }
0x2: {  	s1 =	rddreg [dreg:$0x1]  }
0x3: {  	s2 =	rddreg [dreg:$0x2]  }
0x4: {  	s3 =	rddreg [dreg:$0x3];
	s4 =	simm.s32 $0x0;
	s5 =	stileid.u32  }
0x5: {  	[smem:$0x7FF] =	sst s4;
	s6 =	sshll.u32 s5, $0x5  }
0x6: {  	s29 =	simm.s32 $0x2;
	_ =	strace $0x80000047;
	s1 =	sadd.s32 s1, s6  }
0x7: {  	[tilespmem:s4], [sflag:$0x2] =	stream.linear.gather [hbm4b:s1+s4], $0x100, $0x38;
	[tilespmem:$0x2100] =	vst v63  }
0x8: {  	_ =	swait.ge [sflag:s29], $0x100  }
0x9: {  	s30 =	simm.s32 $0x100;
	[sflag:s29] =	ssyncset.done $0x0  }
0xa: {  	s31 =	simm.s32 $0x1;
	s0 =	sadd.s32 $0x800, s0;
	[sflag:s29] =	ssyncadd.s32 $0xFFFFFF00  }
0xb: {  	[tilespmem:s30], [sflag:$0x1] =	stream.indirect.gather [hbm4b:s0+s30], $0x20, s4, s30, $0xb8;
	[tilespmem:$0x2100] =	vst v63  }
0xc: {  	_ =	swait.ge [sflag:s31], $0x2000  }
0xd: {  	s7 =	sshll.u32 s5, $0xA;
	[sflag:s31] =	ssyncset.done $0x0  }
0xe: {  	s2 =	sadd.s32 s2, s7;
	[sflag:s31] =	ssyncadd.s32 $0xFFFFE000  }
0xf: {  	[hbm4b:s2+s4] =	stream.linear.scatter [tilespmem:s30], [sflag:$0x2], $0x2000, $0x38;
	[tilespmem:$0x2100] =	vst v63  }
0x10: {  	_ =	swait.ge [sflag:s29], $0x2000  }
0x11: {  	[sflag:s29] =	ssyncset.done $0x0  }
0x12: {  	[sflag:s29] =	ssyncadd.s32 $0xFFFFE000  }
0x13: {  	_ =	sfence.sel $0x180000  }
0x14: {  	[bflag:$0x0] =	sbarrier.arrive $0xFFFF  }
0x15: {  	p0 =	sne.s32 s5, $0x0;
	_ =	strace $0x90000047  }
0x16: {  	s0 =	sadd.s32 @!p0 $0x100000, s3;
	[bflag:$0x2] =	sbarrier.arrive $0xFFFF  }
0x17: {  	[sflag:s0] =	ssyncadd.tile.s32 @!p0 $0x1;
	_ =	shalt  }
.Lfunc_end2:
_tile_overlayer_lowered:
.L_overlay_start_2:
0x18: {  	(tag) =	ssettag $0x2  }
0x19: {  	s0 =	rddreg [dreg:$0x0];
	s2 =	stileid.u32  }
0x1a: {  	s1 =	rddreg [dreg:$0x1];
	p0 =	sne.s32 s2, $0x0  }
0x1b: {  	s3 =	rddreg [dreg:$0x2];
	[bflag:$0x3] =	sbarrier.arrive $0xFFFF;
	s2 =	simm.s32 @!p0 $0x1C02  }
0x1c: {  	[timem:s3], [sflag:s2] =	dma.local @!p0 [hbm:s0], s1  }
0x1d: {  	s0 =	simm.s32 @!p0 $0x2  }
0x1e: {  	_ =	swait.ge @!p0 [sflag:s0], s1  }
0x1f: {  	s1 =	ssub.s32 @!p0 $0x0, s1;
	[sflag:s0] =	ssyncset.done @!p0 $0x0  }
0x20: {  	[sflag:s0] =	ssyncadd.s32 @!p0 s1  }
0x21: {  	[bflag:$0x3] =	sbarrier.arrive $0xFFFF  }
0x22: {  	_ =	shalt  }

</sc_bundles>
